<compile_context>
chip_gen: v7x
topology: tpu7x:2x2x1
jax: 0.10.2.dev20260603
libtpu: 0.0.44.dev20260713+nightly
codegen_flags: <defaults>
</compile_context>

<pallas_src>
import functools

import jax
import jax.numpy as jnp
from jax.experimental import pallas as pl
from jax.experimental.pallas import tpu as pltpu


def _ffn_body(x_ref, wgu_ref, ws_ref, w2p_ref, sgw_ref,
              out_ref, act_ref, gtok_ref, *, j_main, bi):
    j = pl.program_id(1)
    x = x_ref[...]
    dn = (((1,), (1,)), ((), ()))

    @pl.when(j == 0)
    def _init():
        act_ref[1] = jnp.zeros_like(act_ref[1])
        glogit = jax.lax.dot_general(
            x.astype(jnp.float32), sgw_ref[...].astype(jnp.float32),
            dn, preferred_element_type=jnp.float32)
        gtok_ref[...] = jax.nn.sigmoid(glogit)

    p = jax.lax.dot_general(x, wgu_ref[0], dn,
                            preferred_element_type=jnp.float32)
    s = jax.lax.dot_general(x, ws_ref[0], dn,
                            preferred_element_type=jnp.float32)
    acc = jax.lax.dot_general(act_ref[(j + 1) % 2], w2p_ref[0], dn,
                              preferred_element_type=jnp.float32)

    @pl.when(j == 0)
    def _set():
        out_ref[...] = jnp.zeros_like(out_ref)

    @pl.when(j > 0)
    def _accum():
        out_ref[...] += acc

    g = p[:, :bi]
    u = p[:, bi:]
    gtok = gtok_ref[...]
    act_main = (g * jax.nn.sigmoid(g)) * u
    act_shared = (s * jax.nn.sigmoid(s)) * gtok
    act_ref[j % 2] = jnp.concatenate(
        [act_main, act_shared], axis=1).astype(jnp.bfloat16)


def kernel(hidden_states, w13, w2, gate, shared_w1, shared_w2, shared_gate_w):
    del gate
    bsz, seq_len, hidden = hidden_states.shape
    inter = shared_w1.shape[0]
    n_tokens = bsz * seq_len

    bt = min(1024, n_tokens)
    bi = min(512, inter)
    assert n_tokens % bt == 0 and inter % bi == 0
    n_t = n_tokens // bt
    j_main = inter // bi

    x = hidden_states.reshape(n_tokens, hidden).astype(jnp.bfloat16)
    wgu = (w13.reshape(2, j_main, bi, hidden)
              .transpose(1, 0, 2, 3)
              .reshape(j_main, 2 * bi, hidden)
              .astype(jnp.bfloat16))
    wst = shared_w1.reshape(j_main, bi, hidden).astype(jnp.bfloat16)
    w2p = (jnp.concatenate(
               [w2.reshape(hidden, j_main, 1, bi),
                shared_w2.reshape(hidden, j_main, 1, bi)], axis=2)
              .transpose(1, 0, 2, 3)
              .reshape(j_main, hidden, 2 * bi)
              .astype(jnp.bfloat16))
    sgwb = shared_gate_w.astype(jnp.bfloat16)

    cm = j_main - 1

    grid_spec = pltpu.PrefetchScalarGridSpec(
        num_scalar_prefetch=0,
        grid=(n_t, j_main + 1),
        in_specs=[
            pl.BlockSpec((bt, hidden), lambda t, j: (t, 0)),
            pl.BlockSpec((1, 2 * bi, hidden),
                         lambda t, j: (jnp.minimum(j, cm), 0, 0)),
            pl.BlockSpec((1, bi, hidden),
                         lambda t, j: (jnp.minimum(j, cm), 0, 0)),
            pl.BlockSpec((1, hidden, 2 * bi),
                         lambda t, j: (jnp.clip(j - 1, 0, cm), 0, 0)),
            pl.BlockSpec((1, hidden), lambda t, j: (0, 0)),
        ],
        out_specs=pl.BlockSpec((bt, hidden), lambda t, j: (t, 0)),
        scratch_shapes=[
            pltpu.VMEM((2, bt, 2 * bi), jnp.bfloat16),
            pltpu.VMEM((bt, 1), jnp.float32),
        ],
    )

    out = pl.pallas_call(
        functools.partial(_ffn_body, j_main=j_main, bi=bi),
        grid_spec=grid_spec,
        out_shape=jax.ShapeDtypeStruct((n_tokens, hidden), jnp.float32),
        compiler_params=pltpu.CompilerParams(
            dimension_semantics=("parallel", "arbitrary"),
            vmem_limit_bytes=63 * 1024 * 1024,
        ),
    )(x, wgu, wst, w2p, sgwb)

    return out.reshape(bsz, seq_len, hidden)

# --- scband reference (transcript-rebuilt; emitter-appended) ---
"""Pipeline reference for scband-vectorized-mo-e-31636729102463 (READ-ONLY COPY).

The authoritative reference and input builder live on the scoring server;
editing this copy changes nothing except your own understanding.
"""

import jax, jax.numpy as jnp
import numpy as np

HIDDEN = 2048
INTER = 5632
NUM_EXPERTS = 8
TOP_K = 2
B, S = 2, 2048


def setup_inputs(seed: int = 0) -> dict:
    key = jax.random.key(seed)
    ks = jax.random.split(key, 8)
    hidden_states = jax.random.normal(ks[0], (B, S, HIDDEN), dtype=jnp.float32)
    # torch.nn.Linear stores weight as [out_features, in_features]
    w13 = jax.random.normal(ks[1], (INTER * 2, HIDDEN), dtype=jnp.float32) * 0.02
    w2 = jax.random.normal(ks[2], (HIDDEN, INTER), dtype=jnp.float32) * 0.02
    gate = jax.random.normal(ks[3], (NUM_EXPERTS, HIDDEN), dtype=jnp.float32) * 0.02
    shared_w1 = jax.random.normal(ks[4], (INTER, HIDDEN), dtype=jnp.float32) * 0.02
    shared_w2 = jax.random.normal(ks[5], (HIDDEN, INTER), dtype=jnp.float32) * 0.02
    shared_gate_w = jax.random.normal(ks[6], (1, HIDDEN), dtype=jnp.float32) * 0.02
    return {
        "hidden_states": hidden_states,
        "w13": w13,
        "w2": w2,
        "gate": gate,
        "shared_w1": shared_w1,
        "shared_w2": shared_w2,
        "shared_gate_w": shared_gate_w,
    }


def reference(hidden_states, w13, w2, gate, shared_w1, shared_w2, shared_gate_w):
    original_shape = hidden_states.shape
    bsz, seq_len, hidden_dim = original_shape
    num_tokens = bsz * seq_len
    x = hidden_states.reshape(-1, hidden_dim)
    # router
    router_logits = x @ gate.T  # [N, E]
    top_k_logits, top_k_indices = jax.lax.top_k(router_logits, TOP_K)
    top_k_weights = jax.nn.softmax(top_k_logits, axis=-1)  # [N, K]
    # expand tokens per selected expert (weights w13/w2 are shared across experts
    # in the original module, so expert id only affects routing weights)
    flat_tokens = jnp.broadcast_to(x[:, None, :], (num_tokens, TOP_K, hidden_dim)).reshape(-1, hidden_dim)
    flat_gate_up = flat_tokens @ w13.T  # [N*K, 2*INTER]
    g, u = jnp.split(flat_gate_up, 2, axis=-1)
    activated = jax.nn.silu(g) * u
    expert_outputs = activated @ w2.T  # [N*K, H]
    out_k = expert_outputs.reshape(num_tokens, TOP_K, hidden_dim)
    # the masked per-expert accumulation loop in torch is equivalent to a
    # weighted sum over the k routed copies (each token hits exactly one
    # expert_id per k slot)
    final = jnp.sum(out_k * top_k_weights[:, :, None], axis=1)  # [N, H]
    # shared expert
    shared = jax.nn.silu(x @ shared_w1.T) @ shared_w2.T
    shared_gate = jax.nn.sigmoid(x @ shared_gate_w.T)  # [N, 1]
    final = final + shared_gate * shared
    return final.reshape(bsz, seq_len, hidden_dim)

if __name__ == "__main__":
    import jax
    _d = setup_inputs()
    print(jax.jit(kernel)(*tuple(_d.values())))

</pallas_src>

<mosaic_0001>
module attributes {stable_mosaic.version = 14 : i64} {
  func.func @_ffn_body(%arg0: i32, %arg1: i32, %arg2: memref<1024x2048xbf16, #tpu.memory_space<vmem>>, %arg3: memref<1x1024x2048xbf16, #tpu.memory_space<vmem>>, %arg4: memref<1x512x2048xbf16, #tpu.memory_space<vmem>>, %arg5: memref<1x2048x1024xbf16, #tpu.memory_space<vmem>>, %arg6: memref<1x2048xbf16, #tpu.memory_space<vmem>>, %arg7: memref<1024x2048xf32, #tpu.memory_space<vmem>>, %arg8: memref<2x1024x1024xbf16, #tpu.memory_space<vmem>>, %arg9: memref<1024x1xf32, #tpu.memory_space<vmem>>) attributes {dimension_semantics = [#tpu.dimension_semantics<parallel>, #tpu.dimension_semantics<arbitrary>], iteration_bounds = array<i64: 4, 12>, scalar_prefetch = 0 : i64, scratch_operands = 2 : i64, tpu.core_type = #tpu.core_type<tc>, window_params = [{transform_indices = @transform_0, window_bounds = array<i64: 1024, 2048>}, {transform_indices = @transform_1, window_bounds = array<i64: 1, 1024, 2048>}, {transform_indices = @transform_2, window_bounds = array<i64: 1, 512, 2048>}, {transform_indices = @transform_3, window_bounds = array<i64: 1, 2048, 1024>}, {pipeline_mode = #tpu.pipeline_mode<synchronous>, transform_indices = @transform_4, window_bounds = array<i64: 1, 2048>}, {transform_indices = @transform_5, window_bounds = array<i64: 1024, 2048>}]} {
    %get3A = arith.constant 0 : index
    %get3A_0 = arith.constant 0 : index
    %get3A_1 = vector.load %arg2[%get3A, %get3A_0] : memref<1024x2048xbf16, #tpu.memory_space<vmem>>, vector<1024x2048xbf16>
    %eq3A = arith.constant 0 : i32
    %eq3A_2 = arith.cmpi eq, %arg1, %eq3A : i32
    %convert_element_type3A = arith.extui %eq3A_2 : i1 to i32
    %cond3A = arith.constant 0 : i32
    %cond3A_3 = arith.cmpi ne, %convert_element_type3A, %cond3A : i32
    scf.if %cond3A_3 {
      %broadcast_in_dim3A = arith.constant 0.000000e+00 : bf16
      %broadcast_in_dim3A_90 = vector.broadcast %broadcast_in_dim3A : bf16 to vector<1024x1024xbf16>
      %swap3A_91 = arith.constant 1 : index
      %swap3A_92 = arith.constant 0 : index
      %swap3A_93 = arith.constant 0 : index
      %swap3A_94 = vector.load %arg8[%swap3A_91, %swap3A_92, %swap3A_93] : memref<2x1024x1024xbf16, #tpu.memory_space<vmem>>, vector<1x1024x1024xbf16>
      %swap3A_95 = vector.shape_cast %swap3A_94 : vector<1x1024x1024xbf16> to vector<1024x1024xbf16>
      %swap3A_96 = vector.shape_cast %broadcast_in_dim3A_90 : vector<1024x1024xbf16> to vector<1x1024x1024xbf16>
      tpu.vector_store %arg8[%swap3A_91, %swap3A_92, %swap3A_93], %swap3A_96 {strides = array<i32>} : memref<2x1024x1024xbf16, #tpu.memory_space<vmem>>, vector<1x1024x1024xbf16>,
      %convert_element_type3A_97 = arith.extf %get3A_1 : vector<1024x2048xbf16> to vector<1024x2048xf32>
      %get3A_98 = arith.constant 0 : index
      %get3A_99 = arith.constant 0 : index
      %get3A_100 = vector.load %arg6[%get3A_98, %get3A_99] : memref<1x2048xbf16, #tpu.memory_space<vmem>>, vector<1x2048xbf16>
      %convert_element_type3A_101 = arith.extf %get3A_100 : vector<1x2048xbf16> to vector<1x2048xf32>
      %dot_general3A_102 = arith.constant dense<0.000000e+00> : vector<1024x1xf32>
      %dot_general3A_103 = tpu.matmul %convert_element_type3A_97, %convert_element_type3A_101, %dot_general3A_102 {dimension_numbers = #tpu.dot_dimension_numbers<[1], [1], [0], [0], [0, 0, 1, 0], [], []>, transpose_lhs_hint = false} : vector<1024x2048xf32>, vector<1x2048xf32>, vector<1024x1xf32> -> vector<1024x1xf32>
      %logistic3A_104 = arith.negf %dot_general3A_103 : vector<1024x1xf32>
      %logistic3A_105 = math.exp %logistic3A_104 : vector<1024x1xf32>
      %logistic3A_106 = arith.constant 1.000000e+00 : f32
      %logistic3A_107 = vector.broadcast %logistic3A_106 : f32 to vector<1024x1xf32>
      %logistic3A_108 = arith.addf %logistic3A_107, %logistic3A_105 : vector<1024x1xf32>
      %logistic3A_109 = arith.divf %logistic3A_107, %logistic3A_108 : vector<1024x1xf32>
      %swap3A_110 = arith.constant 0 : index
      %swap3A_111 = arith.constant 0 : index
      %swap3A_112 = vector.load %arg9[%swap3A_110, %swap3A_111] : memref<1024x1xf32, #tpu.memory_space<vmem>>, vector<1024x1xf32>
      tpu.vector_store %arg9[%swap3A_110, %swap3A_111], %logistic3A_109 {strides = array<i32>} : memref<1024x1xf32, #tpu.memory_space<vmem>>, vector<1024x1xf32>,
    } else {
    }
    %get3A_4 = arith.constant 0 : index
    %get3A_5 = arith.constant 0 : index
    %get3A_6 = arith.constant 0 : index
    %get3A_7 = vector.load %arg3[%get3A_4, %get3A_5, %get3A_6] : memref<1x1024x2048xbf16, #tpu.memory_space<vmem>>, vector<1x1024x2048xbf16>
    %get3A_8 = vector.shape_cast %get3A_7 : vector<1x1024x2048xbf16> to vector<1024x2048xbf16>
    %dot_general3A = arith.constant dense<0.000000e+00> : vector<1024x1024xf32>
    %dot_general3A_9 = tpu.matmul %get3A_1, %get3A_8, %dot_general3A {dimension_numbers = #tpu.dot_dimension_numbers<[1], [1], [0], [0], [0, 0, 1, 0], [], []>, transpose_lhs_hint = false} : vector<1024x2048xbf16>, vector<1024x2048xbf16>, vector<1024x1024xf32> -> vector<1024x1024xf32>
    %get3A_10 = arith.constant 0 : index
    %get3A_11 = arith.constant 0 : index
    %get3A_12 = arith.constant 0 : index
    %get3A_13 = vector.load %arg4[%get3A_10, %get3A_11, %get3A_12] : memref<1x512x2048xbf16, #tpu.memory_space<vmem>>, vector<1x512x2048xbf16>
    %get3A_14 = vector.shape_cast %get3A_13 : vector<1x512x2048xbf16> to vector<512x2048xbf16>
    %dot_general3A_15 = arith.constant dense<0.000000e+00> : vector<1024x512xf32>
    %dot_general3A_16 = tpu.matmul %get3A_1, %get3A_14, %dot_general3A_15 {dimension_numbers = #tpu.dot_dimension_numbers<[1], [1], [0], [0], [0, 0, 1, 0], [], []>, transpose_lhs_hint = false} : vector<1024x2048xbf16>, vector<512x2048xbf16>, vector<1024x512xf32> -> vector<1024x512xf32>
    %add3A = arith.constant 1 : i32
    %add3A_17 = arith.addi %arg1, %add3A : i32
    %jit3A = arith.constant 2 : i32
    %eq3A_18 = arith.constant 0 : i32
    %eq3A_19 = arith.cmpi eq, %jit3A, %eq3A_18 : i32
    %jit3A_20 = arith.constant 1 : i32
    %select_n3A = arith.select %eq3A_19, %jit3A_20, %jit3A : i32
    %rem3A = arith.remsi %add3A_17, %select_n3A : i32
    %ne3A = arith.constant 0 : i32
    %ne3A_21 = arith.cmpi ne, %rem3A, %ne3A : i32
    %lt3A = arith.constant 0 : i32
    %lt3A_22 = arith.cmpi slt, %rem3A, %lt3A : i32
    %lt3A_23 = arith.constant 0 : i32
    %lt3A_24 = arith.cmpi slt, %select_n3A, %lt3A_23 : i32
    %ne3A_25 = arith.xori %lt3A_22, %lt3A_24 : i1
    %and3A = arith.andi %ne3A_25, %ne3A_21 : i1
    %add3A_26 = arith.addi %rem3A, %select_n3A : i32
    %select_n3A_27 = arith.select %and3A, %add3A_26, %rem3A : i32
    %get3A_28 = arith.index_cast %select_n3A_27 : i32 to index
    %get3A_29 = arith.constant 0 : index
    %get3A_30 = arith.constant 0 : index
    %get3A_31 = vector.load %arg8[%get3A_28, %get3A_29, %get3A_30] : memref<2x1024x1024xbf16, #tpu.memory_space<vmem>>, vector<1x1024x1024xbf16>
    %get3A_32 = vector.shape_cast %get3A_31 : vector<1x1024x1024xbf16> to vector<1024x1024xbf16>
    %get3A_33 = arith.constant 0 : index
    %get3A_34 = arith.constant 0 : index
    %get3A_35 = arith.constant 0 : index
    %get3A_36 = vector.load %arg5[%get3A_33, %get3A_34, %get3A_35] : memref<1x2048x1024xbf16, #tpu.memory_space<vmem>>, vector<1x2048x1024xbf16>
    %get3A_37 = vector.shape_cast %get3A_36 : vector<1x2048x1024xbf16> to vector<2048x1024xbf16>
    %dot_general3A_38 = arith.constant dense<0.000000e+00> : vector<1024x2048xf32>
    %dot_general3A_39 = tpu.matmul %get3A_32, %get3A_37, %dot_general3A_38 {dimension_numbers = #tpu.dot_dimension_numbers<[1], [1], [0], [0], [0, 0, 1, 0], [], []>, transpose_lhs_hint = false} : vector<1024x1024xbf16>, vector<2048x1024xbf16>, vector<1024x2048xf32> -> vector<1024x2048xf32>
    %eq3A_40 = arith.constant 0 : i32
    %eq3A_41 = arith.cmpi eq, %arg1, %eq3A_40 : i32
    %convert_element_type3A_42 = arith.extui %eq3A_41 : i1 to i32
    %cond3A_43 = arith.constant 0 : i32
    %cond3A_44 = arith.cmpi ne, %convert_element_type3A_42, %cond3A_43 : i32
    scf.if %cond3A_44 {
      %broadcast_in_dim3A = arith.constant 0.000000e+00 : f32
      %broadcast_in_dim3A_90 = vector.broadcast %broadcast_in_dim3A : f32 to vector<1024x2048xf32>
      %swap3A_91 = arith.constant 0 : index
      %swap3A_92 = arith.constant 0 : index
      %swap3A_93 = vector.load %arg7[%swap3A_91, %swap3A_92] : memref<1024x2048xf32, #tpu.memory_space<vmem>>, vector<1024x2048xf32>
      tpu.vector_store %arg7[%swap3A_91, %swap3A_92], %broadcast_in_dim3A_90 {strides = array<i32>} : memref<1024x2048xf32, #tpu.memory_space<vmem>>, vector<1024x2048xf32>,
    } else {
    }
    %gt3A = arith.constant 0 : i32
    %gt3A_45 = arith.cmpi sgt, %arg1, %gt3A : i32
    %convert_element_type3A_46 = arith.extui %gt3A_45 : i1 to i32
    %cond3A_47 = arith.constant 0 : i32
    %cond3A_48 = arith.cmpi ne, %convert_element_type3A_46, %cond3A_47 : i32
    scf.if %cond3A_48 {
      %get3A_90 = arith.constant 0 : index
      %get3A_91 = arith.constant 0 : index
      %get3A_92 = vector.load %arg7[%get3A_90, %get3A_91] : memref<1024x2048xf32, #tpu.memory_space<vmem>>, vector<1024x2048xf32>
      %add3A_93 = arith.addf %get3A_92, %dot_general3A_39 : vector<1024x2048xf32>
      %swap3A_94 = arith.constant 0 : index
      %swap3A_95 = arith.constant 0 : index
      %swap3A_96 = vector.load %arg7[%swap3A_94, %swap3A_95] : memref<1024x2048xf32, #tpu.memory_space<vmem>>, vector<1024x2048xf32>
      tpu.vector_store %arg7[%swap3A_94, %swap3A_95], %add3A_93 {strides = array<i32>} : memref<1024x2048xf32, #tpu.memory_space<vmem>>, vector<1024x2048xf32>,
    } else {
    }
    %slice3A = vector.extract_strided_slice %dot_general3A_9 {offsets = [0, 0], sizes = [1024, 512], strides = [1, 1]} : vector<1024x1024xf32> to vector<1024x512xf32>
    %slice3A_49 = vector.extract_strided_slice %dot_general3A_9 {offsets = [0, 512], sizes = [1024, 512], strides = [1, 1]} : vector<1024x1024xf32> to vector<1024x512xf32>
    %get3A_50 = arith.constant 0 : index
    %get3A_51 = arith.constant 0 : index
    %get3A_52 = vector.load %arg9[%get3A_50, %get3A_51] : memref<1024x1xf32, #tpu.memory_space<vmem>>, vector<1024x1xf32>
    %logistic3A = arith.negf %slice3A : vector<1024x512xf32>
    %logistic3A_53 = math.exp %logistic3A : vector<1024x512xf32>
    %logistic3A_54 = arith.constant 1.000000e+00 : f32
    %logistic3A_55 = vector.broadcast %logistic3A_54 : f32 to vector<1024x512xf32>
    %logistic3A_56 = arith.addf %logistic3A_55, %logistic3A_53 : vector<1024x512xf32>
    %logistic3A_57 = arith.divf %logistic3A_55, %logistic3A_56 : vector<1024x512xf32>
    %mul3A = arith.mulf %slice3A, %logistic3A_57 : vector<1024x512xf32>
    %mul3A_58 = arith.mulf %mul3A, %slice3A_49 : vector<1024x512xf32>
    %logistic3A_59 = arith.negf %dot_general3A_16 : vector<1024x512xf32>
    %logistic3A_60 = math.exp %logistic3A_59 : vector<1024x512xf32>
    %logistic3A_61 = arith.constant 1.000000e+00 : f32
    %logistic3A_62 = vector.broadcast %logistic3A_61 : f32 to vector<1024x512xf32>
    %logistic3A_63 = arith.addf %logistic3A_62, %logistic3A_60 : vector<1024x512xf32>
    %logistic3A_64 = arith.divf %logistic3A_62, %logistic3A_63 : vector<1024x512xf32>
    %mul3A_65 = arith.mulf %dot_general3A_16, %logistic3A_64 : vector<1024x512xf32>
    %mul3A_66 = vector.broadcast %get3A_52 : vector<1024x1xf32> to vector<1024x512xf32>
    %mul3A_67 = arith.mulf %mul3A_65, %mul3A_66 : vector<1024x512xf32>
    %concatenate3A = tpu.concatenate %mul3A_58, %mul3A_67 in 1 : vector<1024x512xf32>, vector<1024x512xf32> -> vector<1024x1024xf32>
    %convert_element_type3A_68 = arith.truncf %concatenate3A : vector<1024x1024xf32> to vector<1024x1024xbf16>
    %jit3A_69 = arith.constant 2 : i32
    %eq3A_70 = arith.constant 0 : i32
    %eq3A_71 = arith.cmpi eq, %jit3A_69, %eq3A_70 : i32
    %jit3A_72 = arith.constant 1 : i32
    %select_n3A_73 = arith.select %eq3A_71, %jit3A_72, %jit3A_69 : i32
    %rem3A_74 = arith.remsi %arg1, %select_n3A_73 : i32
    %ne3A_75 = arith.constant 0 : i32
    %ne3A_76 = arith.cmpi ne, %rem3A_74, %ne3A_75 : i32
    %lt3A_77 = arith.constant 0 : i32
    %lt3A_78 = arith.cmpi slt, %rem3A_74, %lt3A_77 : i32
    %lt3A_79 = arith.constant 0 : i32
    %lt3A_80 = arith.cmpi slt, %select_n3A_73, %lt3A_79 : i32
    %ne3A_81 = arith.xori %lt3A_78, %lt3A_80 : i1
    %and3A_82 = arith.andi %ne3A_81, %ne3A_76 : i1
    %add3A_83 = arith.addi %rem3A_74, %select_n3A_73 : i32
    %select_n3A_84 = arith.select %and3A_82, %add3A_83, %rem3A_74 : i32
    %swap3A = arith.index_cast %select_n3A_84 : i32 to index
    %swap3A_85 = arith.constant 0 : index
    %swap3A_86 = arith.constant 0 : index
    %swap3A_87 = vector.load %arg8[%swap3A, %swap3A_85, %swap3A_86] : memref<2x1024x1024xbf16, #tpu.memory_space<vmem>>, vector<1x1024x1024xbf16>
    %swap3A_88 = vector.shape_cast %swap3A_87 : vector<1x1024x1024xbf16> to vector<1024x1024xbf16>
    %swap3A_89 = vector.shape_cast %convert_element_type3A_68 : vector<1024x1024xbf16> to vector<1x1024x1024xbf16>
    tpu.vector_store %arg8[%swap3A, %swap3A_85, %swap3A_86], %swap3A_89 {strides = array<i32>} : memref<2x1024x1024xbf16, #tpu.memory_space<vmem>>, vector<1x1024x1024xbf16>,
    return
  }
  func.func @transform_0(%arg0: i32, %arg1: i32) -> (i32, i32) {
    %c0_i32 = arith.constant 0 : i32
    %c0_i32_0 = arith.constant 0 : i32
    return %arg0, %c0_i32 : i32, i32
  }
  func.func @transform_1(%arg0: i32, %arg1: i32) -> (i32, i32, i32) {
    %min3A = arith.constant 10 : i32
    %min3A_0 = arith.minsi %arg1, %min3A : i32
    %c0_i32 = arith.constant 0 : i32
    %c0_i32_1 = arith.constant 0 : i32
    %c0_i32_2 = arith.constant 0 : i32
    return %min3A_0, %c0_i32, %c0_i32_1 : i32, i32, i32
  }
  func.func @transform_2(%arg0: i32, %arg1: i32) -> (i32, i32, i32) {
    %min3A = arith.constant 10 : i32
    %min3A_0 = arith.minsi %arg1, %min3A : i32
    %c0_i32 = arith.constant 0 : i32
    %c0_i32_1 = arith.constant 0 : i32
    %c0_i32_2 = arith.constant 0 : i32
    return %min3A_0, %c0_i32, %c0_i32_1 : i32, i32, i32
  }
  func.func @transform_3(%arg0: i32, %arg1: i32) -> (i32, i32, i32) {
    %sub3A = arith.constant 1 : i32
    %sub3A_0 = arith.subi %arg1, %sub3A : i32
    %jit3A = arith.constant 0 : i32
    %jit3A_1 = arith.constant 10 : i32
    %max3A = arith.maxsi %jit3A, %sub3A_0 : i32
    %min3A = arith.minsi %jit3A_1, %max3A : i32
    %c0_i32 = arith.constant 0 : i32
    %c0_i32_2 = arith.constant 0 : i32
    %c0_i32_3 = arith.constant 0 : i32
    return %min3A, %c0_i32, %c0_i32_2 : i32, i32, i32
  }
  func.func @transform_4(%arg0: i32, %arg1: i32) -> (i32, i32) {
    %c0_i32 = arith.constant 0 : i32
    %c0_i32_0 = arith.constant 0 : i32
    %c0_i32_1 = arith.constant 0 : i32
    return %c0_i32, %c0_i32_0 : i32, i32
  }
  func.func @transform_5(%arg0: i32, %arg1: i32) -> (i32, i32) {
    %c0_i32 = arith.constant 0 : i32
    %c0_i32_0 = arith.constant 0 : i32
    return %arg0, %c0_i32 : i32, i32
  }
}

</mosaic_0001>

<sc_bundles>
// kernel: sparse-core-data-format-call.1.cloned.1.call-start
scs
called_computation.1_lowered:
.L_overlay_start_0:
0x0: {  	s2 =	sld [smem:$0x3FD9]  }
0x1: {  	s3 =	sld [smem:$0x3FFE];
	_ =	sdelay $0x1  }
0x2: {  	s1 =	srdreg.scid  }
0x3: {  	s0 =	sand.u32 $0x1, s1  }
0x4: {  	s18 =	sshll.u32 s0, $0xA;
	s2 =	sadd.s32 s3, s2  }
0x5: {  	s2 =	sadd.s32 s2, s18  }
0x6: {  	[smem:$0x3FC2] =	sst s2  }
0x7: {  	_ = 	snop  }
0x8: {  	(tm) =	ssettm $0x1  }
0x9: {  	s19 =	sld [smem:$0x3FFB];
	_ =	sdelay $0x3  }
0xa: {  	_ =	strace s19  }
0xb: {  	s2 =	sld [smem:$0x3FFC];
	_ =	sdelay $0x3  }
0xc: {  	_ =	strace s2  }
0xd: {  	s2 =	sld [smem:$0x3FFD];
	_ =	sdelay $0x3  }
0xe: {  	_ =	strace s2  }
0xf: {  	_ =	strace $0x8FFFFFFF  }
0x10: {  	s20 =	sld [smem:$0x3FDB];
	_ =	sdelay $0x1  }
0x11: {  	s21 =	simm.s32 $_scs_section_size  }
0x12: {  	s4 =	simm.s32 $_size__tile_overlayer_lowered;
	s5 =	simm.s32 $_tile_overlayer_lowered  }
0x13: {  	s6 =	simm.s32 $0x1BFF;
	s22 =	sshll.u32 s5, $0x1;
	s3 =	sadd.s32 s21, s20  }
0x14: {  	s23 =	simm.s32 $0x0;
	s4 =	sshll.u32 s4, $0x1;
	s5 =	sadd.s32 s22, s3  }
0x15: {  	[timem:s23], [sflag:s6] =	dma.local [hbm:s5], s4  }
0x16: {  	_ =	swait.ge [sflag:s6], s4  }
0x17: {  	s4 =	ssub.s32 $0x0, s4;
	[sflag:s6] =	ssyncset.done $0x0  }
0x18: {  	[sflag:s6] =	ssyncadd.s32 s4;
	_ =	sdelay $0x1  }
0x19: {  	s24 =	simm.s32 $0x1B8B  }
0x1a: {  	_ =	swait.ge [sflag:s24], $0x1  }
0x1b: {  	[sflag:s24] =	ssyncset.done $0x0  }
0x1c: {  	[sflag:s24] =	ssyncadd.s32 $0xFFFFFFFF  }
0x1d: {  	s4 =	sld [smem:$0x0]  }
0x1e: {  	s5 =	sand.u32 $0xFFFFFFFE, s1  }
0x1f: {  	p0 =	sne.s32 s1, s5  }
0x20: {  	s5 =	sshll.u32 @p0 s5, $0xE  }
0x21: {  	s5 =	sadd.s32 @p0 $0x11B8D, s5;
	s6 =	sshll.u32 @p0 s4, $0x11  }
0x22: {  	s5 =	sor.u32 @p0 s6, s5  }
0x23: {  	[sflag:s5] =	ssyncadd.remote.s32 @p0 $0x1;
	_ =	sdelay $0x1  }
0x24: {  	s5 =	simm.s32 @p0 $0x1B8D  }
0x25: {  	_ =	swait.eq @p0 [sflag:s5], $0x1  }
0x26: {  	[sflag:s5] =	ssyncadd.s32 @p0 $0xFFFFFFFF  }
0x27: {  	s6 =	sshll.u32 @!p0 s1, $0xE  }
0x28: {  	s6 =	sor.u32 @!p0 $0x4000, s6;
	s5 =	simm.s32 @!p0 $0x1B8D  }
0x29: {  	s4 =	sshll.u32 @!p0 s4, $0x11;
	s6 =	sadd.s32 @!p0 $0x11B8D, s6;
	_ =	swait.eq @!p0 [sflag:s5], $0x1  }
0x2a: {  	s4 =	sor.u32 @!p0 s4, s6;
	[sflag:s5] =	ssyncadd.s32 @!p0 $0xFFFFFFFF  }
0x2b: {  	s26 =	simm.s32 $0x1B8E;
	s25 =	sld [smem:$0x3FFE];
	[sflag:s4] =	ssyncadd.remote.s32 @!p0 $0x1  }
0x2c: {  	s27 =	simm.s32 $execute0_lowered;
	[smem:$0x3FD2] =	sst s26  }
0x2d: {  	s5 =	sshll.u32 s27, $0x1;
	_ =	strace $0x80000049;
	[dreg:$0x1] =	wrdreg $0xFFFFFFFF  }
0x2e: {  	s28 =	simm.s32 $_size_execute0_lowered;
	s3 =	sadd.s32 s3, s5;
	[dreg:$0x0] =	wrdreg $0x0  }
0x2f: {  	s5 =	sshll.u32 s28, $0x1;
	[dreg:$0x2] =	wrdreg s3  }
0x30: {  	[dreg:$0x3] =	wrdreg s5  }
0x31: {  	[dreg:$0x4] =	wrdreg $0xC0  }
0x32: {  	_ =	task [dreg:s23], $0x5FFFF  }
0x33: {  	[dreg:$0x1] =	wrdreg $0xFFFFFFFF  }
0x34: {  	[dreg:$0x0] =	wrdreg $0x60  }
0x35: {  	[dreg:$0x2] =	wrdreg s25  }
0x36: {  	[dreg:$0x3] =	wrdreg $0xA  }
0x37: {  	_ =	task.clear_ibuf [dreg:s23], $0x4FFFF;
	_ =	strace $0x90000049  }
0x38: {  	s29 =	simm.s32 $0xA;
	_ =	strace $0x8000004B  }
0x39: {  	_ =	swait.ge [sflag:s29], $0x1  }
0x3a: {  	[sflag:s29] =	ssyncadd.s32 $0xFFFFFFFF  }
0x3b: {  	_ =	strace $0x9000004B  }
0x3c: {  	_ =	sfence  }
0x3d: {  	s30 =	sld [smem:$0x0];
	_ =	sdelay $0x2  }
0x3e: {  	s31 =	sshll.u32 s1, $0xD;
	s1 =	sshrl.u32 s1, $0x2  }
0x3f: {  	s4 =	sand.u32 $0x4000, s31;
	s1 =	sadd.s32 s1, s30  }
0x40: {  	s0 =	sor.u32 s4, s0;
	s1 =	sshll.u32 s1, $0x11  }
0x41: {  	s0 =	sor.u32 s1, s0  }
0x42: {  	s0 =	sadd.s32 $0x8F2B, s0  }
0x43: {  	[sflag:s0] =	ssyncadd.remote.s32 $0x1  }
0x44: {  	_ =	sfence.sel $0xFFFF  }
0x45: {  	[dreg:$0x0] =	wrdreg $0xFFFFFFFF;
	(pc) =	sbr.abs _section_cstart, $3  }
0x46: {  	[dreg:$0x1] =	wrdreg $0xFFFFFFFF  }
0x47: {  	_ =	task.clear_ibuf [dreg:s23], $0x2FFFF;
	_ =	strace $0x9FFFFFFF  }
0x48: {  	(tm) =	ssettm $0x7FFFFFFF  }
0x49: {  	_ =	shalt  }
tec
execute0_lowered:
.L_overlay_start_1:
0x0: {  	(tag) =	ssettag $0x1  }
0x1: {  	s2 =	stileid.u32;
	s0 =	srdreg.scid  }
0x2: {  	s4 =	rddreg [dreg:$0x0];
	s1 =	sshll.u32 s2, $0x3;
	s0 =	sshll.u32 s0, $0x7  }
0x3: {  	_ =	strace $0x8000004A;
	s29 =	simm.s32 $0x1;
	s0 =	sor.u32 s1, s0  }
0x4: {  	s31 =	simm.s32 $0x2;
	s10 =	simm.s32 $0x0;
	s5 =	sand.u32 $0xF0, s0  }
0x5: {  	s15 =	simm.s32 $0x0;
	s6 =	sand.u32 $0x1, s2;
	s0 =	ssub.s32 $0x200, s5  }
0x6: {  	s16 =	simm.s32 $0x0;
	s27 =	ssub.s32 $0x2, s6;
	s28 =	sand.u32 $0xF0, s0  }
0x7: {  	s2 =	simm.s32 $0x1;
	s3 =	sshrl.u32 s27, $0x1;
	p0 =	sne.s32 s28, $0x0  }
0x8: {  	s1 =	sand.u32 $0x1, s27;
	s0 =	sshrl.u32 s0, $0x8;
	s2 =	simm.s32 @!p0 $0x0  }
0x9: {  	s30 =	sadd.s32 $0x422A00, s4;
	s1 =	sadd.s32 s1, s3;
	s0 =	sadd.s32 s2, s0  }
0xa: {  	s17 =	simm.s32 $0x0;
	[dreg:$0x6] =	wrdreg s30;
	s0 =	smul.u32 s0, s1  }
.Ltmp0:
0xb: {  	s7 =	sadd.s32 $0x2C2A00, s4;
	[dreg:$0x3] =	wrdreg s6;
	(pc) =	sbr.rel .LBB1_1-.Ltmp0, $4  }
0xc: {  	s12 =	simm.s32 $0x0;
	[dreg:$0x4] =	wrdreg s7;
	s8 =	smul.u32 $0xB, s0  }
0xd: {  	s14 =	simm.s32 $0x0;
	[sflag:s29] =	ssyncpa.u1 $0x0;
	[dreg:$0x2] =	wrdreg s5  }
0xe: {  	[sflag:s31] =	ssyncpa.u1 $0x0;
	s9 =	sadd.s32 $0x1, s8;
	[dreg:$0x5] =	wrdreg s8  }
0xf: {  	s13 =	smov.u32 s6;
	s11 =	smov.u32 s5;
	[dreg:$0x7] =	wrdreg s9  }
.LBB1_7:
0x10: {  	s0 =	sadd.s32 $0x100, s11  }
0x11: {  	s1 =	simm.s32 $0x1;
	p1 =	sgt.s32 s0, $0x1FF  }
0x12: {  	s1 =	simm.s32 @!p1 $0x0  }
0x13: {  	s1 =	sadd.s32 s1, s12  }
0x14: {  	s3 =	sadd.s32 $0x2, s13;
	s4 =	smov.u32 s13;
	p2 =	sgt.s32 s1, $0xA  }
0x15: {  	s4 =	smov.u32 @p2 s3  }
0x16: {  	s0 =	smov.u32 @p1 s5;
	p1 =	sgt.s32 s4, $0x1  }
0x17: {  	p0 =	slt.u32 s14, $0x2;
	s4 =	smov.u32 @p1 s6;
	p1 =	sne.s32 s14, s9  }
.Ltmp1:
0x18: {  	s2 =	simm.s32 @!p0 $0x2;
	(pc) =	sbr.rel @!p1 .LBB1_8-.Ltmp1, $4  }
0x19: {  	s15 =	smov.u32 s11;
	s16 =	smov.u32 s12;
	_ =	swait.ge @!p0 [sflag:s2], $0x4000  }
0x1a: {  	s17 =	smov.u32 s13;
	s10 =	sadd.s32 $0x8000, s10;
	[sflag:s2] =	ssyncset.done @!p0 $0x0  }
0x1b: {  	s11 =	smov.u32 s0;
	[sflag:s2] =	ssyncadd.s32 @!p0 $0xFFFFC000;
	s1 =	simm.s32 @p2 $0x0  }
0x1c: {  	s12 =	smov.u32 s1;
	s14 =	sadd.s32 $0x1, s14;
	s13 =	smov.u32 s4  }
.LBB1_1:
0x1d: {  	p0 =	sge.u32 s14, s8  }
0x1e: {  	s0 =	smul.u32 @!p0 $0xB0000, s13  }
0x1f: {  	s31 =	sadd.s32 $0xFFFFFFFF, s14;
	s1 =	sxor.u32 @!p0 $0xFFFFFFFF, s14  }
0x20: {  	s2 =	sshll.u32 @!p0 s12, $0x10;
	s3 =	sshll.u32 @!p0 s11, $0x7;
	s0 =	sadd.s32 @!p0 s7, s0  }
0x21: {  	s4 =	sshll.u32 @!p0 s11, $0x3;
	s3 =	sand.u32 @!p0 $0xFC00, s3;
	s0 =	sadd.s32 @!p0 s2, s0  }
0x22: {  	s1 =	sshll.u32 @!p0 s1, $0xE;
	s2 =	sand.u32 @!p0 $0x30, s4;
	s0 =	sadd.s32 @!p0 s3, s0  }
0x23: {  	s1 =	sand.u32 @!p0 $0x4000, s1;
	s0 =	sadd.s32 @!p0 s2, s0;
	s2 =	simm.s32 @!p0 $0x0  }
0x24: {  	[tilespmem:s1], [sflag:$0x1] =	stream.linear.gather @!p0 [hbm4b:s0+s2], $0x4000, $0x38;
	[tilespmem:$0x10000] =	vst v63  }
0x25: {  	p0 =	sge.u32 s31, s8  }
.Ltmp2:
0x26: {  	_ = 	snop;
	(pc) =	sbr.rel @p0 .LBB1_7-.Ltmp2, $1  }
0x27: {  	_ =	sdelay $0x3  }
0x28: {  	[dreg:$0xb] =	wrdreg s17  }
0x29: {  	[dreg:$0xa] =	wrdreg s16  }
0x2a: {  	[dreg:$0x9] =	wrdreg s15  }
0x2b: {  	[dreg:$0x8] =	wrdreg s12  }
0x2c: {  	s0 =	sshll.u32 s10, $0x1;
	s2 =	simm.s32 $0x1;
	s1 =	sshll.u32 s14, $0xE  }
0x2d: {  	s25 =	simm.s32 $0x0;
	s23 =	simm.s32 $0x0;
	s24 =	simm.s32 $0x0  }
0x2e: {  	s0 =	sand.u32 $0x10000, s0;
	_ =	swait.ge [sflag:s2], $0x4000;
	s1 =	sand.u32 $0x4000, s1  }
0x2f: {  	[sflag:s2] =	ssyncset.done $0x0;
	s0 =	sshrl.u32 s0, $0x2;
	s1 =	sor.u32 $0x8000, s1  }
0x30: {  	[sflag:s2] =	ssyncadd.s32 $0xFFFFC000;
	[dreg:$0xc] =	wrdreg s1;
	s19 =	sor.u32 $0x8000, s0  }
0x31: {  	s20 =	sadd.s32 $0x8400, s0;
	s21 =	sadd.s32 $0x470, s0;
	s22 =	sadd.s32 $0x400, s0  }
.LBB1_3:
0x32: {  	s0 =	sshll.u32 s24, $0x1  }
0x33: {  	s0 =	sand.u32 $0xFFFF8000, s0  }
0x34: {  	s0 =	sshra.s32 s0, $0x2  }
0x35: {  	v0 =	vmov s0  }
0x36: {  	s26 =	sshll.u32 s25, $0x8  }
0x37: {  	s0 =	sshra.s32 s26, $0x2  }
0x38: {  	s1 =	sor.u32 $0x270, s0  }
0x39: {  	s2 =	sor.u32 $0x260, s0;
	s17 =	sadd.s32 s1, s22  }
0x3a: {  	s4 =	sor.u32 $0x250, s0;
	s26 =	sadd.s32 s2, s22;
	v1 =	vld.idx.msk [tilespmem:v0+s17+$0x0 ss:$0x1], $0xffff  }
0x3b: {  	s6 =	sor.u32 $0x240, s0;
	s27 =	sadd.s32 s4, s22;
	v2 =	vld.idx.msk [tilespmem:v0+s26+$0x0 ss:$0x1], $0xffff  }
0x3c: {  	s8 =	sor.u32 $0x230, s0;
	s28 =	sadd.s32 s6, s22;
	v3 =	vld.idx.msk [tilespmem:v0+s27+$0x0 ss:$0x1], $0xffff  }
0x3d: {  	s3 =	sshll.u32 s23, $0x7;
	s16 =	sor.u32 $0x220, s0;
	s30 =	sadd.s32 s8, s22;
	v4 =	vld.idx.msk [tilespmem:v0+s28+$0x0 ss:$0x1], $0xffff  }
0x3e: {  	s12 =	sand.u32 $0x180, s3;
	s18 =	sor.u32 $0x210, s0;
	s31 =	sadd.s32 s16, s22;
	v5 =	vld.idx.msk [tilespmem:v0+s30+$0x0 ss:$0x1], $0xffff  }
0x3f: {  	s15 =	sor.u32 $0x200, s0;
	s29 =	sadd.s32 s1, s19;
	s0 =	sadd.s32 s18, s22;
	v6 =	vld.idx.msk [tilespmem:v0+s31+$0x0 ss:$0x1], $0xffff  }
0x40: {  	s5 =	sadd.s32 s12, s21;
	s3 =	sadd.s32 s2, s20;
	v7 =	vld.idx.msk [tilespmem:v0+s0+$0x0 ss:$0x1], $0xffff;
	[tilespmem:v0+s29+$0x400 ss:$0x1] =	vst.idx.msk $0xffff, v1  }
0x41: {  	s9 =	sadd.s32 s4, s20;
	v8 =	vld.idx.msk [tilespmem:v0+s5+$0xFFFFFFE0 ss:$0x1], $0xffff;
	[tilespmem:v0+s3+$0x0 ss:$0x1] =	vst.idx.msk $0xffff, v2  }
0x42: {  	s4 =	sadd.s32 s6, s20;
	v9 =	vld.idx.msk [tilespmem:v0+s5+$0xFFFFFFF0 ss:$0x1], $0xffff;
	[tilespmem:v0+s9+$0x0 ss:$0x1] =	vst.idx.msk $0xffff, v3  }
0x43: {  	s8 =	sadd.s32 s8, s20;
	v10 =	vld.idx.msk [tilespmem:v0+s5+$0xFFFFFB90 ss:$0x1], $0xffff;
	[tilespmem:v0+s4+$0x0 ss:$0x1] =	vst.idx.msk $0xffff, v4  }
0x44: {  	s7 =	sadd.s32 s15, s22;
	s1 =	sadd.s32 s16, s20;
	v11 =	vld.idx.msk [tilespmem:v0+s0+$0xFFFFFC00 ss:$0x1], $0xffff;
	[tilespmem:v0+s8+$0x0 ss:$0x1] =	vst.idx.msk $0xffff, v5  }
0x45: {  	s2 =	sadd.s32 s18, s20;
	v1 =	vld.idx.msk [tilespmem:v0+s7+$0x0 ss:$0x1], $0xffff;
	[tilespmem:v0+s1+$0x0 ss:$0x1] =	vst.idx.msk $0xffff, v6  }
0x46: {  	s6 =	sadd.s32 s12, s20;
	v2 =	vld.idx.msk [tilespmem:v0+s5+$0x0 ss:$0x1], $0xffff;
	[tilespmem:v0+s2+$0x0 ss:$0x1] =	vst.idx.msk $0xffff, v7  }
0x47: {  	v3 =	vld.idx.msk [tilespmem:v0+s5+$0xFFFFFBA0 ss:$0x1], $0xffff;
	[tilespmem:v0+s6+$0x50 ss:$0x1] =	vst.idx.msk $0xffff, v8  }
0x48: {  	v4 =	vld.idx.msk [tilespmem:v0+s5+$0xFFFFFBB0 ss:$0x1], $0xffff;
	[tilespmem:v0+s6+$0x60 ss:$0x1] =	vst.idx.msk $0xffff, v9  }
0x49: {  	v5 =	vld.idx.msk [tilespmem:v0+s5+$0xFFFFFBC0 ss:$0x1], $0xffff;
	[tilespmem:v0+s6+$0xFFFFFC00 ss:$0x1] =	vst.idx.msk $0xffff, v10  }
0x4a: {  	s18 =	sadd.s32 s15, s20;
	v6 =	vld.idx.msk [tilespmem:v0+s5+$0xFFFFFBD0 ss:$0x1], $0xffff;
	[tilespmem:v0+s2+$0xFFFFFC00 ss:$0x1] =	vst.idx.msk $0xffff, v11  }
0x4b: {  	v7 =	vld.idx.msk [tilespmem:v0+s5+$0xFFFFFBE0 ss:$0x1], $0xffff;
	[tilespmem:v0+s18+$0x0 ss:$0x1] =	vst.idx.msk $0xffff, v1  }
0x4c: {  	v1 =	vld.idx.msk [tilespmem:v0+s5+$0xFFFFFBF0 ss:$0x1], $0xffff;
	[tilespmem:v0+s6+$0x70 ss:$0x1] =	vst.idx.msk $0xffff, v2  }
0x4d: {  	[tilespmem:v0+s6+$0xFFFFFC10 ss:$0x1] =	vst.idx.msk $0xffff, v3;
	v2 =	vld.idx.msk [tilespmem:v0+s5+$0xFFFFFC00 ss:$0x1], $0xffff  }
0x4e: {  	[tilespmem:v0+s6+$0xFFFFFC20 ss:$0x1] =	vst.idx.msk $0xffff, v4;
	v4 =	vld.idx.msk [tilespmem:v0+s5+$0xFFFFFFA0 ss:$0x1], $0xffff  }
0x4f: {  	v3 =	vld.idx.msk [tilespmem:v0+s5+$0xFFFFFF90 ss:$0x1], $0xffff;
	[tilespmem:v0+s6+$0xFFFFFC30 ss:$0x1] =	vst.idx.msk $0xffff, v5  }
0x50: {  	[tilespmem:v0+s6+$0xFFFFFC40 ss:$0x1] =	vst.idx.msk $0xffff, v6;
	v5 =	vld.idx.msk [tilespmem:v0+s5+$0xFFFFFFB0 ss:$0x1], $0xffff  }
0x51: {  	[tilespmem:v0+s6+$0xFFFFFC50 ss:$0x1] =	vst.idx.msk $0xffff, v7;
	v6 =	vld.idx.msk [tilespmem:v0+s5+$0xFFFFFFC0 ss:$0x1], $0xffff  }
0x52: {  	v7 =	vld.idx.msk [tilespmem:v0+s5+$0xFFFFFFD0 ss:$0x1], $0xffff;
	[tilespmem:v0+s6+$0xFFFFFC60 ss:$0x1] =	vst.idx.msk $0xffff, v1  }
0x53: {  	[tilespmem:v0+s6+$0x10 ss:$0x1] =	vst.idx.msk $0xffff, v4;
	v4 =	vld.idx.msk [tilespmem:v0+s7+$0xFFFFFC00 ss:$0x1], $0xffff  }
0x54: {  	[tilespmem:v0+s6+$0xFFFFFC70 ss:$0x1] =	vst.idx.msk $0xffff, v2;
	v1 =	vld.idx.msk [tilespmem:v0+s31+$0xFFFFFC00 ss:$0x1], $0xffff  }
0x55: {  	[tilespmem:v0+s6+$0x0 ss:$0x1] =	vst.idx.msk $0xffff, v3;
	v2 =	vld.idx.msk [tilespmem:v0+s30+$0xFFFFFC00 ss:$0x1], $0xffff  }
0x56: {  	[tilespmem:v0+s6+$0x20 ss:$0x1] =	vst.idx.msk $0xffff, v5;
	v3 =	vld.idx.msk [tilespmem:v0+s28+$0xFFFFFC00 ss:$0x1], $0xffff  }
0x57: {  	[tilespmem:v0+s6+$0x30 ss:$0x1] =	vst.idx.msk $0xffff, v6;
	v5 =	vld.idx.msk [tilespmem:v0+s27+$0xFFFFFC00 ss:$0x1], $0xffff  }
0x58: {  	[tilespmem:v0+s6+$0x40 ss:$0x1] =	vst.idx.msk $0xffff, v7;
	v6 =	vld.idx.msk [tilespmem:v0+s26+$0xFFFFFC00 ss:$0x1], $0xffff  }
0x59: {  	s16 =	simm.s32 $0x0;
	[tilespmem:v0+s18+$0xFFFFFC00 ss:$0x1] =	vst.idx.msk $0xffff, v4;
	v4 =	vld.idx.msk [tilespmem:v0+s17+$0xFFFFFC00 ss:$0x1], $0xffff;
	s17 =	sadd.s32 $0x800, s17  }
.LBB1_4:
0x5a: {  	v7 =	vld.idx.msk [tilespmem:v0+s17+$0x0 ss:$0x1], $0xffff;
	[tilespmem:v0+s1+$0xFFFFFC00 ss:$0x1] =	vst.idx.msk $0xffff, v1;
	s26 =	sadd.s32 $0x800, s26  }
0x5b: {  	s27 =	sadd.s32 $0x800, s27;
	v1 =	vld.idx.msk [tilespmem:v0+s26+$0x0 ss:$0x1], $0xffff;
	[tilespmem:v0+s8+$0xFFFFFC00 ss:$0x1] =	vst.idx.msk $0xffff, v2  }
0x5c: {  	s28 =	sadd.s32 $0x800, s28;
	v2 =	vld.idx.msk [tilespmem:v0+s27+$0x0 ss:$0x1], $0xffff;
	[tilespmem:v0+s4+$0xFFFFFC00 ss:$0x1] =	vst.idx.msk $0xffff, v3  }
0x5d: {  	s30 =	sadd.s32 $0x800, s30;
	v3 =	vld.idx.msk [tilespmem:v0+s28+$0x0 ss:$0x1], $0xffff;
	[tilespmem:v0+s9+$0xFFFFFC00 ss:$0x1] =	vst.idx.msk $0xffff, v5  }
0x5e: {  	s31 =	sadd.s32 $0x800, s31;
	v5 =	vld.idx.msk [tilespmem:v0+s30+$0x0 ss:$0x1], $0xffff;
	[tilespmem:v0+s3+$0xFFFFFC00 ss:$0x1] =	vst.idx.msk $0xffff, v6  }
0x5f: {  	s0 =	sadd.s32 $0x800, s0;
	v6 =	vld.idx.msk [tilespmem:v0+s31+$0x0 ss:$0x1], $0xffff;
	[tilespmem:v0+s29+$0x0 ss:$0x1] =	vst.idx.msk $0xffff, v4;
	s29 =	sadd.s32 $0x800, s29  }
0x60: {  	s7 =	sadd.s32 $0x800, s7;
	s3 =	sadd.s32 $0x800, s3;
	v4 =	vld.idx.msk [tilespmem:v0+s0+$0x0 ss:$0x1], $0xffff;
	[tilespmem:v0+s29+$0x400 ss:$0x1] =	vst.idx.msk $0xffff, v7  }
0x61: {  	s5 =	sadd.s32 $0x800, s5;
	s9 =	sadd.s32 $0x800, s9;
	v7 =	vld.idx.msk [tilespmem:v0+s7+$0x0 ss:$0x1], $0xffff;
	[tilespmem:v0+s3+$0x0 ss:$0x1] =	vst.idx.msk $0xffff, v1  }
0x62: {  	s16 =	sadd.s32 $0x200, s16;
	s4 =	sadd.s32 $0x800, s4;
	v1 =	vld.idx.msk [tilespmem:v0+s5+$0x0 ss:$0x1], $0xffff;
	[tilespmem:v0+s9+$0x0 ss:$0x1] =	vst.idx.msk $0xffff, v2  }
0x63: {  	p0 =	slt.u32 s16, $0x600;
	s8 =	sadd.s32 $0x800, s8;
	v2 =	vld.idx.msk [tilespmem:v0+s5+$0xFFFFFBA0 ss:$0x1], $0xffff;
	[tilespmem:v0+s4+$0x0 ss:$0x1] =	vst.idx.msk $0xffff, v3  }
0x64: {  	s1 =	sadd.s32 $0x800, s1;
	v3 =	vld.idx.msk [tilespmem:v0+s5+$0xFFFFFBB0 ss:$0x1], $0xffff;
	[tilespmem:v0+s8+$0x0 ss:$0x1] =	vst.idx.msk $0xffff, v5  }
0x65: {  	s2 =	sadd.s32 $0x800, s2;
	v5 =	vld.idx.msk [tilespmem:v0+s5+$0xFFFFFBC0 ss:$0x1], $0xffff;
	[tilespmem:v0+s1+$0x0 ss:$0x1] =	vst.idx.msk $0xffff, v6  }
0x66: {  	s18 =	sadd.s32 $0x800, s18;
	v6 =	vld.idx.msk [tilespmem:v0+s5+$0xFFFFFBD0 ss:$0x1], $0xffff;
	[tilespmem:v0+s2+$0x0 ss:$0x1] =	vst.idx.msk $0xffff, v4  }
0x67: {  	s6 =	sadd.s32 $0x800, s6;
	v4 =	vld.idx.msk [tilespmem:v0+s5+$0xFFFFFBE0 ss:$0x1], $0xffff;
	[tilespmem:v0+s18+$0x0 ss:$0x1] =	vst.idx.msk $0xffff, v7  }
0x68: {  	v7 =	vld.idx.msk [tilespmem:v0+s5+$0xFFFFFBF0 ss:$0x1], $0xffff;
	[tilespmem:v0+s6+$0x70 ss:$0x1] =	vst.idx.msk $0xffff, v1  }
0x69: {  	[tilespmem:v0+s6+$0xFFFFFC10 ss:$0x1] =	vst.idx.msk $0xffff, v2;
	v1 =	vld.idx.msk [tilespmem:v0+s5+$0xFFFFFC00 ss:$0x1], $0xffff  }
0x6a: {  	[tilespmem:v0+s6+$0xFFFFFC20 ss:$0x1] =	vst.idx.msk $0xffff, v3;
	v2 =	vld.idx.msk [tilespmem:v0+s5+$0xFFFFFF90 ss:$0x1], $0xffff  }
0x6b: {  	[tilespmem:v0+s6+$0xFFFFFC30 ss:$0x1] =	vst.idx.msk $0xffff, v5;
	v3 =	vld.idx.msk [tilespmem:v0+s5+$0xFFFFFFA0 ss:$0x1], $0xffff  }
0x6c: {  	[tilespmem:v0+s6+$0xFFFFFC40 ss:$0x1] =	vst.idx.msk $0xffff, v6;
	v5 =	vld.idx.msk [tilespmem:v0+s5+$0xFFFFFFB0 ss:$0x1], $0xffff  }
0x6d: {  	[tilespmem:v0+s6+$0xFFFFFC50 ss:$0x1] =	vst.idx.msk $0xffff, v4;
	v4 =	vld.idx.msk [tilespmem:v0+s5+$0xFFFFFFC0 ss:$0x1], $0xffff  }
0x6e: {  	[tilespmem:v0+s6+$0xFFFFFC60 ss:$0x1] =	vst.idx.msk $0xffff, v7;
	v6 =	vld.idx.msk [tilespmem:v0+s5+$0xFFFFFFD0 ss:$0x1], $0xffff  }
0x6f: {  	[tilespmem:v0+s6+$0xFFFFFC70 ss:$0x1] =	vst.idx.msk $0xffff, v1;
	v7 =	vld.idx.msk [tilespmem:v0+s5+$0xFFFFFFE0 ss:$0x1], $0xffff  }
0x70: {  	[tilespmem:v0+s6+$0x0 ss:$0x1] =	vst.idx.msk $0xffff, v2;
	v8 =	vld.idx.msk [tilespmem:v0+s5+$0xFFFFFFF0 ss:$0x1], $0xffff  }
0x71: {  	v9 =	vld.idx.msk [tilespmem:v0+s5+$0xFFFFFB90 ss:$0x1], $0xffff;
	[tilespmem:v0+s6+$0x10 ss:$0x1] =	vst.idx.msk $0xffff, v3  }
0x72: {  	v10 =	vld.idx.msk [tilespmem:v0+s7+$0xFFFFFC00 ss:$0x1], $0xffff;
	[tilespmem:v0+s6+$0x20 ss:$0x1] =	vst.idx.msk $0xffff, v5  }
0x73: {  	v11 =	vld.idx.msk [tilespmem:v0+s0+$0xFFFFFC00 ss:$0x1], $0xffff;
	[tilespmem:v0+s6+$0x30 ss:$0x1] =	vst.idx.msk $0xffff, v4  }
0x74: {  	v1 =	vld.idx.msk [tilespmem:v0+s31+$0xFFFFFC00 ss:$0x1], $0xffff;
	[tilespmem:v0+s6+$0x40 ss:$0x1] =	vst.idx.msk $0xffff, v6  }
.Ltmp3:
0x75: {  	v2 =	vld.idx.msk [tilespmem:v0+s30+$0xFFFFFC00 ss:$0x1], $0xffff;
	[tilespmem:v0+s6+$0x50 ss:$0x1] =	vst.idx.msk $0xffff, v7;
	(pc) =	sbr.rel @p0 .LBB1_4-.Ltmp3, $4  }
0x76: {  	v3 =	vld.idx.msk [tilespmem:v0+s28+$0xFFFFFC00 ss:$0x1], $0xffff;
	[tilespmem:v0+s6+$0x60 ss:$0x1] =	vst.idx.msk $0xffff, v8  }
0x77: {  	[tilespmem:v0+s6+$0xFFFFFC00 ss:$0x1] =	vst.idx.msk $0xffff, v9;
	v5 =	vld.idx.msk [tilespmem:v0+s27+$0xFFFFFC00 ss:$0x1], $0xffff  }
0x78: {  	[tilespmem:v0+s18+$0xFFFFFC00 ss:$0x1] =	vst.idx.msk $0xffff, v10;
	v6 =	vld.idx.msk [tilespmem:v0+s26+$0xFFFFFC00 ss:$0x1], $0xffff  }
0x79: {  	[tilespmem:v0+s2+$0xFFFFFC00 ss:$0x1] =	vst.idx.msk $0xffff, v11;
	v4 =	vld.idx.msk [tilespmem:v0+s17+$0xFFFFFC00 ss:$0x1], $0xffff;
	s17 =	sadd.s32 $0x800, s17  }
0x7a: {  	_ =	sdelay $0x3  }
0x7b: {  	[tilespmem:v0+s1+$0xFFFFFC00 ss:$0x1] =	vst.idx.msk $0xffff, v1;
	p0 =	slt.u32 s25, $0xE  }
.Ltmp4:
0x7c: {  	[tilespmem:v0+s8+$0xFFFFFC00 ss:$0x1] =	vst.idx.msk $0xffff, v2;
	(pc) =	sbr.rel @p0 .LBB1_3-.Ltmp4, $4  }
0x7d: {  	[tilespmem:v0+s4+$0xFFFFFC00 ss:$0x1] =	vst.idx.msk $0xffff, v3  }
0x7e: {  	[tilespmem:v0+s9+$0xFFFFFC00 ss:$0x1] =	vst.idx.msk $0xffff, v5  }
0x7f: {  	s0 =	sadd.s32 $0x2, s25;
	[tilespmem:v0+s3+$0xFFFFFC00 ss:$0x1] =	vst.idx.msk $0xffff, v6  }
0x80: {  	s24 =	sadd.s32 $0x1000, s24;
	s23 =	sadd.s32 $0x1, s23;
	s25 =	smov.u32 s0;
	[tilespmem:v0+s29+$0x0 ss:$0x1] =	vst.idx.msk $0xffff, v4  }
0x81: {  	s0 =	rddreg [dreg:$0xb]  }
0x82: {  	s1 =	rddreg [dreg:$0xa]  }
0x83: {  	s4 =	rddreg [dreg:$0x9]  }
0x84: {  	s3 =	rddreg [dreg:$0x6]  }
0x85: {  	s31 =	rddreg [dreg:$0xc]  }
0x86: {  	s5 =	rddreg [dreg:$0x2]  }
0x87: {  	s6 =	rddreg [dreg:$0x3]  }
0x88: {  	s7 =	rddreg [dreg:$0x4]  }
0x89: {  	s8 =	rddreg [dreg:$0x5];
	s0 =	sshll.u32 s0, $0x10;
	s1 =	sshll.u32 s1, $0x11  }
.Ltmp5:
0x8a: {  	s2 =	sshll.u32 s4, $0x7;
	s0 =	sadd.s32 s3, s0;
	(pc) =	sbr.rel .LBB1_7-.Ltmp5, $4  }
0x8b: {  	s28 =	sshll.u32 s4, $0x3;
	s2 =	sand.u32 $0xFC00, s2;
	s0 =	sadd.s32 s1, s0  }
0x8c: {  	s9 =	rddreg [dreg:$0x7];
	s29 =	sand.u32 $0x30, s28;
	s0 =	sadd.s32 s2, s0  }
0x8d: {  	s30 =	simm.s32 $0x0;
	s12 =	rddreg [dreg:$0x8];
	s0 =	sadd.s32 s29, s0  }
0x8e: {  	[hbm4b:s0+s30] =	stream.linear.scatter [tilespmem:s31], [sflag:$0x2], $0x4000, $0x38;
	[tilespmem:$0x10000] =	vst v63  }
.LBB1_8:
0x8f: {  	_ =	sfence.sel $0x180000  }
0x90: {  	s0 =	simm.s32 $0x1;
	[bflag:$0x0] =	sbarrier.arrive $0xFFFF  }
0x91: {  	s30 =	simm.s32 $0x2;
	[sflag:s0] =	ssyncpa.u1 $0x1  }
0x92: {  	[sflag:s30] =	ssyncpa.u1 $0x1  }
0x93: {  	_ =	strace $0x9000004A  }
0x94: {  	s31 =	stileid.u32;
	[bflag:$0x2] =	sbarrier.arrive $0xFFFF  }
0x95: {  	p0 =	sne.s32 s31, $0x0;
	s0 =	rddreg [dreg:$0x1]  }
0x96: {  	s0 =	sadd.s32 @!p0 $0x100000, s0  }
0x97: {  	[sflag:s0] =	ssyncadd.tile.s32 @!p0 $0x1;
	_ =	shalt  }
.Lfunc_end1:
_tile_overlayer_lowered:
.L_overlay_start_2:
0x98: {  	(tag) =	ssettag $0x2  }
0x99: {  	s0 =	rddreg [dreg:$0x0];
	s2 =	stileid.u32  }
0x9a: {  	s1 =	rddreg [dreg:$0x1];
	p0 =	sne.s32 s2, $0x0  }
0x9b: {  	s3 =	rddreg [dreg:$0x2];
	[bflag:$0x3] =	sbarrier.arrive $0xFFFF;
	s2 =	simm.s32 @!p0 $0x1C01  }
0x9c: {  	[timem:s3], [sflag:s2] =	dma.local @!p0 [hbm:s0], s1  }
0x9d: {  	s0 =	simm.s32 @!p0 $0x1  }
0x9e: {  	_ =	swait.ge @!p0 [sflag:s0], s1  }
0x9f: {  	s1 =	ssub.s32 @!p0 $0x0, s1;
	[sflag:s0] =	ssyncset.done @!p0 $0x0  }
0xa0: {  	[sflag:s0] =	ssyncadd.s32 @!p0 s1  }
0xa1: {  	[bflag:$0x3] =	sbarrier.arrive $0xFFFF  }
0xa2: {  	_ =	shalt  }

// kernel: sparse-core-data-format-call.cloned.1.call-start
scs
called_computation_lowered:
.L_overlay_start_0:
0x0: {  	s1 =	sld [smem:$0x3FD9]  }
0x1: {  	s2 =	sld [smem:$0x3FFE];
	_ =	sdelay $0x1  }
0x2: {  	s3 =	srdreg.scid  }
0x3: {  	s0 =	sand.u32 $0x1, s3  }
0x4: {  	s17 =	sshll.u32 s0, $0xA;
	s1 =	sadd.s32 s2, s1  }
0x5: {  	s1 =	sadd.s32 s1, s17  }
0x6: {  	[smem:$0x3FC2] =	sst s1  }
0x7: {  	_ = 	snop  }
0x8: {  	(tm) =	ssettm $0x1  }
0x9: {  	s18 =	sld [smem:$0x3FFB];
	_ =	sdelay $0x3  }
0xa: {  	_ =	strace s18  }
0xb: {  	s1 =	sld [smem:$0x3FFC];
	_ =	sdelay $0x3  }
0xc: {  	_ =	strace s1  }
0xd: {  	s1 =	sld [smem:$0x3FFD];
	_ =	sdelay $0x3  }
0xe: {  	_ =	strace s1  }
0xf: {  	_ =	strace $0x8FFFFFFF  }
0x10: {  	s19 =	sld [smem:$0x3FDB];
	_ =	sdelay $0x1  }
0x11: {  	s20 =	simm.s32 $_scs_section_size  }
0x12: {  	s4 =	simm.s32 $_size__tile_overlayer_lowered;
	s5 =	simm.s32 $_tile_overlayer_lowered  }
0x13: {  	s23 =	simm.s32 $0x1BFF;
	s22 =	sshll.u32 s5, $0x1;
	s1 =	sadd.s32 s20, s19  }
0x14: {  	s6 =	simm.s32 $0x0;
	s21 =	sshll.u32 s4, $0x1;
	s4 =	sadd.s32 s22, s1  }
0x15: {  	[timem:s6], [sflag:s23] =	dma.local [hbm:s4], s21  }
0x16: {  	_ =	swait.ge [sflag:s23], s21  }
0x17: {  	s2 =	ssub.s32 $0x0, s21;
	[sflag:s23] =	ssyncset.done $0x0  }
0x18: {  	[sflag:s23] =	ssyncadd.s32 s2;
	_ =	sdelay $0x1  }
0x19: {  	s24 =	simm.s32 $0x1B8B  }
0x1a: {  	_ =	swait.ge [sflag:s24], $0x1  }
0x1b: {  	[sflag:s24] =	ssyncset.done $0x0  }
0x1c: {  	s26 =	simm.s32 $0x1B8E;
	s25 =	sld [smem:$0x3FFE];
	[sflag:s24] =	ssyncadd.s32 $0xFFFFFFFF  }
0x1d: {  	s27 =	simm.s32 $execute0_lowered;
	[smem:$0x3FD2] =	sst s26  }
0x1e: {  	s4 =	sshll.u32 s27, $0x1;
	_ =	strace $0x80000046;
	[dreg:$0x1] =	wrdreg $0xFFFFFFFF  }
0x1f: {  	s28 =	simm.s32 $_size_execute0_lowered;
	s1 =	sadd.s32 s1, s4;
	[dreg:$0x0] =	wrdreg $0x0  }
0x20: {  	s4 =	sshll.u32 s28, $0x1;
	[dreg:$0x2] =	wrdreg s1  }
0x21: {  	[dreg:$0x3] =	wrdreg s4  }
0x22: {  	[dreg:$0x4] =	wrdreg $0xC0  }
0x23: {  	_ =	task [dreg:s6], $0x5FFFF  }
0x24: {  	[dreg:$0x1] =	wrdreg $0xFFFFFFFF  }
0x25: {  	[dreg:$0x0] =	wrdreg $0x60  }
0x26: {  	[dreg:$0x2] =	wrdreg s25  }
0x27: {  	[dreg:$0x3] =	wrdreg $0x9  }
0x28: {  	_ =	task.clear_ibuf [dreg:s6], $0x4FFFF;
	_ =	strace $0x90000046  }
0x29: {  	s29 =	simm.s32 $0x9;
	_ =	strace $0x80000048  }
0x2a: {  	_ =	swait.ge [sflag:s29], $0x1  }
0x2b: {  	[sflag:s29] =	ssyncadd.s32 $0xFFFFFFFF  }
0x2c: {  	_ =	strace $0x90000048  }
0x2d: {  	_ =	sfence  }
0x2e: {  	s30 =	sld [smem:$0x0];
	_ =	sdelay $0x2  }
0x2f: {  	s31 =	sshll.u32 s3, $0xD;
	s3 =	sshrl.u32 s3, $0x2  }
0x30: {  	s2 =	sand.u32 $0x4000, s31;
	s1 =	sadd.s32 s3, s30  }
0x31: {  	s0 =	sor.u32 s2, s0;
	s1 =	sshll.u32 s1, $0x11  }
0x32: {  	s0 =	sor.u32 s1, s0  }
0x33: {  	s0 =	sadd.s32 $0x8F2B, s0  }
0x34: {  	[sflag:s0] =	ssyncadd.remote.s32 $0x1  }
0x35: {  	_ =	sfence.sel $0xFFFF  }
0x36: {  	[dreg:$0x0] =	wrdreg $0xFFFFFFFF;
	(pc) =	sbr.abs _section_cstart, $3  }
0x37: {  	[dreg:$0x1] =	wrdreg $0xFFFFFFFF  }
0x38: {  	_ =	task.clear_ibuf [dreg:s6], $0x2FFFF;
	_ =	strace $0x9FFFFFFF  }
0x39: {  	(tm) =	ssettm $0x7FFFFFFF  }
tec
execute0_lowered:
.L_overlay_start_1:
0x0: {  	(tag) =	ssettag $0x1  }
0x1: {  	s0 =	stileid.u32  }
0x2: {  	s1 =	srdreg.scid;
	s8 =	rddreg [dreg:$0x0];
	s9 =	simm.s32 $0x2  }
0x3: {  	s2 =	sshll.u32 s0, $0x7;
	s3 =	sshll.u32 s0, $0x5;
	s4 =	sshll.u32 s1, $0x9  }
0x4: {  	s17 =	simm.s32 $0x0;
	s1 =	sand.u32 $0x180, s2;
	s29 =	sor.u32 s3, s4  }
0x5: {  	s10 =	simm.s32 $0x200;
	s2 =	sand.u32 $0x380, s29;
	s30 =	ssub.s32 $0x200, s1  }
0x6: {  	s16 =	simm.s32 $0x0;
	s31 =	sand.u32 $0x180, s30;
	s5 =	ssub.s32 $0x800, s2  }
0x7: {  	s4 =	simm.s32 $0x1;
	p0 =	sne.s32 s31, $0x0;
	s6 =	sand.u32 $0x380, s5  }
0x8: {  	s4 =	simm.s32 @!p0 $0x0;
	p0 =	sne.s32 s6, $0x0;
	s6 =	simm.s32 $0x1  }
0x9: {  	s3 =	sshrl.u32 s30, $0x9;
	s5 =	sshrl.u32 s5, $0xA;
	s6 =	simm.s32 @!p0 $0x0  }
0xa: {  	s18 =	simm.s32 $0x0;
	s4 =	sadd.s32 s4, s3;
	s5 =	sadd.s32 s6, s5  }
0xb: {  	s14 =	simm.s32 $0x0;
	s11 =	simm.s32 $0x0;
	s6 =	smul.u32 s5, s4  }
.Ltmp0:
0xc: {  	s15 =	simm.s32 $0x0;
	s7 =	sadd.s32 $0x162A00, s8;
	(pc) =	sbr.rel .LBB1_1-.Ltmp0, $4  }
0xd: {  	s13 =	smov.u32 s1;
	s12 =	smov.u32 s2;
	s3 =	rddreg [dreg:$0x1]  }
0xe: {  	_ =	strace $0x80000047;
	s5 =	simm.s32 $0x1;
	s6 =	smul.u32 $0xB, s6  }
0xf: {  	p0 =	por $0x0, $0x0;
	s4 =	sadd.s32 $0x2A00, s8;
	[sflag:s5] =	ssyncpa.u1 $0x0  }
0x10: {  	s8 =	sadd.s32 $0xB2A00, s8;
	[sflag:s9] =	ssyncpa.u1 $0x0;
	s9 =	sadd.s32 $0x1, s6  }
.LBB1_4:
0x11: {  	[tilespmem:s19+$0x1830 ss:$0x81] =	vst.msk $0xffff, v13;
	v7 =	vpack.i.b32.b16 v9, v7  }
0x12: {  	v49 =	vpack.i.b32.b16 v12, v10;
	[tilespmem:s19+$0x1831 ss:$0x81] =	vst.msk $0xffff, v7  }
0x13: {  	v50 =	vunpack.i.l.s16.s32 v4;
	v51 =	vunpack.i.l.s16.s32 v5;
	v52 =	vpack.i.b32.b16 v11, v8;
	[tilespmem:s19+$0x2040 ss:$0x81] =	vst.msk $0xffff, v49  }
0x14: {  	v56 =	vunpack.i.l.s16.s32 v6;
	v55 =	vpack.i.b32.b16 v51, v50;
	[tilespmem:s19+$0x2041 ss:$0x81] =	vst.msk $0xffff, v52  }
0x15: {  	v58 =	vunpack.i.l.s16.s32 v2;
	v59 =	vunpack.i.l.s16.s32 v3;
	v1 =	vpack.i.b32.b16 v1, v56;
	[tilespmem:s19+$0x2850 ss:$0x81] =	vst.msk $0xffff, v55  }
0x16: {  	v53 =	vunpack.i.u.s16.s32 v4;
	v54 =	vunpack.i.u.s16.s32 v5;
	s18 =	sshll.u32 s18, $0x11;
	v62 =	vpack.i.b32.b16 v59, v58;
	[tilespmem:s19+$0x0 ss:$0x81] =	vst.msk $0xffff, v1  }
0x17: {  	v57 =	vunpack.i.u.s16.s32 v6;
	s17 =	sshll.u32 s17, $0x6;
	s29 =	sshrl.u32 s16, $0x3;
	v4 =	vpack.i.b32.b16 v54, v53;
	s18 =	sadd.s32 s7, s18;
	[tilespmem:s21+$0x3060 ss:$0x81] =	vst.msk $0xffff, v62  }
0x18: {  	v60 =	vunpack.i.u.s16.s32 v2;
	v61 =	vunpack.i.u.s16.s32 v3;
	s31 =	sand.u32 $0x7, s16;
	v0 =	vpack.i.b32.b16 v0, v57;
	s30 =	sand.u32 $0x20, s29;
	s17 =	sadd.s32 s17, s18;
	[tilespmem:s19+$0x2851 ss:$0x81] =	vst.msk $0xffff, v4  }
0x19: {  	v63 =	vpack.i.b32.b16 v61, v60;
	s16 =	sshll.u32 s31, $0x12;
	[tilespmem:s21+$0x1 ss:$0x81] =	vst.msk $0xffff, v0;
	s19 =	sand.u32 $0x1F, s29;
	s17 =	sadd.s32 s30, s17  }
0x1a: {  	s16 =	sor.u32 $0x80, s16;
	[tilespmem:s21+$0x3061 ss:$0x81] =	vst.msk $0xffff, v63;
	s17 =	sadd.s32 s19, s17  }
0x1b: {  	[hbm4b:s17+s16] =	stream.strided.scatter [tilespmem:s20], [sflag:$0x2], $0x4000, s10, s16, $0x20;
	[tilespmem:$0x10100] =	vst v63  }
.LBB1_5:
0x1c: {  	s19 =	sadd.s32 $0x400, s12;
	s16 =	sadd.s32 $0x200, s13  }
0x1d: {  	s20 =	smov.u32 s13;
	p1 =	slt.u32 s15, $0x2;
	s17 =	smov.u32 s12  }
0x1e: {  	s18 =	smov.u32 s14;
	p0 =	por !p0, !p0;
	p2 =	sgt.s32 s19, $0x7FF  }
0x1f: {  	s22 =	simm.s32 @!p1 $0x2;
	s20 =	smov.u32 @p2 s16;
	s16 =	simm.s32 $0x1  }
0x20: {  	s19 =	smov.u32 @p2 s2;
	_ =	swait.ge @!p1 [sflag:s22], $0x4000;
	p3 =	sgt.s32 s20, $0x1FF  }
0x21: {  	s16 =	simm.s32 @!p3 $0x0;
	s20 =	smov.u32 @p3 s1;
	p3 =	sne.s32 s15, s9  }
.Ltmp1:
0x22: {  	[sflag:s22] =	ssyncset.done @!p1 $0x0;
	s21 =	sadd.s32 s16, s14;
	(pc) =	sbr.rel @!p3 .LBB1_6-.Ltmp1, $4  }
0x23: {  	s12 =	smov.u32 s19;
	s16 =	sadd.s32 $0x2, s11;
	p4 =	sgt.s32 s21, $0xA  }
0x24: {  	s15 =	sadd.s32 $0x1, s15;
	[sflag:s22] =	ssyncadd.s32 @!p1 $0xFFFFC000;
	s11 =	smov.u32 @p4 s16  }
0x25: {  	s21 =	simm.s32 @p4 $0x0;
	s16 =	smov.u32 s13;
	p2 =	sgt.s32 s11, $0x1  }
0x26: {  	s13 =	smov.u32 s20;
	s14 =	smov.u32 s21;
	s11 =	simm.s32 @p2 $0x0  }
.LBB1_1:
0x27: {  	p1 =	sge.u32 s15, s6  }
0x28: {  	s19 =	sshll.u32 @!p1 s13, $0xB;
	s20 =	sshll.u32 @!p1 s12, $0x3;
	s21 =	sxor.u32 @!p1 $0xFFFFFFFF, s15  }
0x29: {  	s22 =	sshll.u32 @!p1 s13, $0x7;
	s23 =	sshll.u32 @!p1 s12, $0x1;
	s24 =	smul.u32 @!p1 $0xB0000, s11  }
0x2a: {  	s25 =	sshll.u32 @!p1 s14, $0x10;
	s26 =	simm.s32 @!p1 $0x2000;
	s19 =	sand.u32 @!p1 $0xFC000, s19  }
0x2b: {  	s22 =	sand.u32 @!p1 $0x300, s22;
	s19 =	sadd.s32 @!p1 s19, s20;
	s20 =	sand.u32 @!p1 $0x400, s20  }
0x2c: {  	s23 =	sand.u32 @!p1 $0xF0, s23;
	s21 =	sshll.u32 @!p1 s21, $0xE;
	s20 =	sor.u32 @!p1 s22, s20  }
0x2d: {  	s19 =	sshrl.u32 @!p1 s19, $0x4;
	s22 =	sadd.s32 @!p1 s24, s25;
	s20 =	sor.u32 @!p1 s23, s20  }
0x2e: {  	s19 =	sand.u32 @!p1 $0xFF80, s19;
	s22 =	sadd.s32 @!p1 s4, s22;
	s23 =	sand.u32 @!p1 $0x7, s12  }
0x2f: {  	s20 =	sshrl.u32 @!p1 s20, $0x4;
	s22 =	sadd.s32 @!p1 s19, s22;
	s23 =	sshll.u32 @!p1 s23, $0x12  }
0x30: {  	s21 =	sand.u32 @!p1 $0x4000, s21;
	s22 =	sadd.s32 @!p1 s20, s22;
	s23 =	sor.u32 @!p1 $0x200, s23  }
0x31: {  	[tilespmem:s21], [sflag:$0x1] =	stream.strided.gather @!p1 [hbm4b:s22+s23], $0x2000, s26, s23, $0x38;
	[tilespmem:$0x10100] =	vst v63  }
0x32: {  	s22 =	sadd.s32 @!p1 s24, s8  }
0x33: {  	s22 =	sadd.s32 @!p1 s25, s22  }
0x34: {  	s19 =	sadd.s32 @!p1 s19, s22  }
0x35: {  	s31 =	sadd.s32 $0xFFFFFFFF, s15;
	s19 =	sadd.s32 @!p1 s20, s19;
	s20 =	sor.u32 @!p1 $0x2000, s21  }
0x36: {  	[tilespmem:s20], [sflag:$0x1] =	stream.strided.gather @!p1 [hbm4b:s19+s23], $0x2000, s26, s23, $0x38;
	[tilespmem:$0x10100] =	vst v63  }
0x37: {  	p1 =	sge.u32 s31, s6  }
.Ltmp2:
0x38: {  	_ = 	snop;
	(pc) =	sbr.rel @p1 .LBB1_5-.Ltmp2, $1  }
0x39: {  	_ =	sdelay $0x3  }
0x3a: {  	s19 =	simm.s32 $0x1  }
0x3b: {  	_ =	swait.ge [sflag:s5], $0x4000;
	s19 =	simm.s32 @!p0 $0x0  }
0x3c: {  	[sflag:s5] =	ssyncset.done $0x0;
	s20 =	sshll.u32 s19, $0xE  }
0x3d: {  	[sflag:s5] =	ssyncadd.s32 $0xFFFFC000;
	s21 =	sor.u32 $0x2000, s20  }
0x3e: {  	v0 =	vld [tilespmem:s21+$0xFFFFE070]  }
0x3f: {  	v1 =	vld [tilespmem:s21+$0x70]  }
0x40: {  	v2 =	vld [tilespmem:s21+$0x0]  }
0x41: {  	v3 =	vld [tilespmem:s21+$0xFFFFE010]  }
0x42: {  	v5 =	vld [tilespmem:s21+$0xFFFFE020]  }
0x43: {  	v4 =	vld [tilespmem:s21+$0x10]  }
0x44: {  	v6 =	vld [tilespmem:s21+$0x20]  }
0x45: {  	s19 =	smul.u32 $0x10200, s19;
	v9 =	vld [tilespmem:s21+$0xFFFFE030];
	v7 =	vunpack.i.l.s16.s32 v0;
	v8 =	vunpack.i.l.s16.s32 v1  }
0x46: {  	v10 =	vunpack.i.u.s16.s32 v0;
	v11 =	vunpack.i.u.s16.s32 v1;
	v0 =	vunpack.i.u.s16.s32 v2  }
0x47: {  	s19 =	sshrl.u32 s19, $0x2;
	v1 =	vunpack.i.l.s16.s32 v2;
	v2 =	vld [tilespmem:s21+$0x30];
	v13 =	vunpack.i.u.s16.s32 v5;
	v14 =	vunpack.i.l.s16.s32 v5  }
0x48: {  	v12 =	vld [tilespmem:s21+$0xFFFFE040];
	s19 =	sor.u32 $0x8000, s19;
	v7 =	vpack.i.b32.b16 v8, v7;
	v8 =	vpack.i.b32.b16 v11, v10;
	v10 =	vunpack.i.u.s16.s32 v3  }
0x49: {  	v15 =	vld [tilespmem:s21+$0x40];
	v3 =	vunpack.i.l.s16.s32 v3;
	v11 =	vunpack.i.u.s16.s32 v4;
	v4 =	vunpack.i.l.s16.s32 v4;
	[tilespmem:s19+$0x3870 ss:$0x81] =	vst.msk $0xffff, v7  }
0x4a: {  	s31 =	sand.u32 $0x1, s15;
	v3 =	vpack.i.b32.b16 v4, v3;
	v4 =	vld [tilespmem:s21+$0xFFFFE050];
	v7 =	vunpack.i.u.s16.s32 v9;
	[tilespmem:s19+$0x3871 ss:$0x81] =	vst.msk $0xffff, v8;
	v8 =	vunpack.i.u.s16.s32 v6  }
0x4b: {  	s20 =	smul.u32 $0x10200, s31;
	v5 =	vld [tilespmem:s21+$0x50];
	v6 =	vunpack.i.l.s16.s32 v6;
	[tilespmem:s19+$0x810 ss:$0x81] =	vst.msk $0xffff, v3;
	v3 =	vpack.i.b32.b16 v11, v10;
	v11 =	vunpack.i.l.s16.s32 v9  }
0x4c: {  	[tilespmem:s19+$0x811 ss:$0x81] =	vst.msk $0xffff, v3;
	v3 =	vpack.i.b32.b16 v6, v14;
	v9 =	vunpack.i.u.s16.s32 v2;
	v14 =	vunpack.i.l.s16.s32 v2;
	v2 =	vld [tilespmem:s21+$0xFFFFE060]  }
0x4d: {  	s22 =	simm.s32 $0x0;
	s20 =	sshrl.u32 s20, $0x2;
	v10 =	vunpack.i.l.s16.s32 v12;
	v13 =	vpack.i.b32.b16 v8, v13;
	v8 =	vunpack.i.u.s16.s32 v12;
	[tilespmem:s19+$0x1020 ss:$0x81] =	vst.msk $0xffff, v3;
	v3 =	vld [tilespmem:s21+$0x60]  }
0x4e: {  	s23 =	sadd.s32 $0x80, s21;
	s20 =	sor.u32 $0x8000, s20;
	v6 =	vld [tilespmem:s21+$0xFFFFE000];
	v12 =	vunpack.i.l.s16.s32 v15;
	s21 =	smov.u32 s19;
	[tilespmem:s19+$0x1021 ss:$0x81] =	vst.msk $0xffff, v13;
	v13 =	vpack.i.b32.b16 v14, v11;
	v11 =	vunpack.i.u.s16.s32 v15  }
.LBB1_3:
0x4f: {  	v14 =	vld [tilespmem:s23+$0xFFFFE070];
	[tilespmem:s19+$0x1830 ss:$0x81] =	vst.msk $0xffff, v13;
	v7 =	vpack.i.b32.b16 v9, v7;
	v9 =	vunpack.i.u.s16.s32 v4;
	v4 =	vunpack.i.l.s16.s32 v4  }
0x50: {  	v13 =	vld [tilespmem:s23+$0x70];
	[tilespmem:s19+$0x1831 ss:$0x81] =	vst.msk $0xffff, v7;
	v7 =	vpack.i.b32.b16 v12, v10;
	v10 =	vunpack.i.u.s16.s32 v5;
	v5 =	vunpack.i.l.s16.s32 v5  }
0x51: {  	s22 =	sadd.s32 $0x2, s22;
	v12 =	vld [tilespmem:s23+$0x0];
	[tilespmem:s19+$0x2040 ss:$0x81] =	vst.msk $0xffff, v7;
	v7 =	vpack.i.b32.b16 v11, v8;
	v8 =	vunpack.i.u.s16.s32 v2;
	v2 =	vunpack.i.l.s16.s32 v2  }
0x52: {  	p1 =	slt.u32 s22, $0x7E;
	v4 =	vpack.i.b32.b16 v5, v4;
	v5 =	vunpack.i.u.s16.s32 v3;
	v3 =	vunpack.i.l.s16.s32 v3;
	v11 =	vld [tilespmem:s23+$0xFFFFE010];
	[tilespmem:s19+$0x2041 ss:$0x81] =	vst.msk $0xffff, v7  }
0x53: {  	v15 =	vunpack.i.u.s16.s32 v6;
	v6 =	vunpack.i.l.s16.s32 v6;
	v7 =	vld [tilespmem:s23+$0x10];
	[tilespmem:s19+$0x2850 ss:$0x81] =	vst.msk $0xffff, v4;
	v4 =	vpack.i.b32.b16 v10, v9  }
0x54: {  	v1 =	vpack.i.b32.b16 v1, v6;
	v0 =	vpack.i.b32.b16 v0, v15;
	v2 =	vpack.i.b32.b16 v3, v2;
	v9 =	vld [tilespmem:s23+$0xFFFFE020];
	[tilespmem:s19+$0x2851 ss:$0x81] =	vst.msk $0xffff, v4  }
0x55: {  	v5 =	vpack.i.b32.b16 v5, v8;
	v4 =	vunpack.i.l.s16.s32 v14;
	v3 =	vld [tilespmem:s23+$0x20];
	v6 =	vunpack.i.l.s16.s32 v13;
	[tilespmem:s19+$0x0 ss:$0x81] =	vst.msk $0xffff, v1  }
0x56: {  	v10 =	vunpack.i.u.s16.s32 v14;
	v13 =	vunpack.i.u.s16.s32 v13;
	s19 =	sadd.s32 $0x2, s19;
	v8 =	vld [tilespmem:s23+$0xFFFFE030];
	v4 =	vpack.i.b32.b16 v6, v4;
	[tilespmem:s21+$0x1 ss:$0x81] =	vst.msk $0xffff, v0  }
0x57: {  	v0 =	vunpack.i.u.s16.s32 v12;
	v1 =	vunpack.i.l.s16.s32 v12;
	v6 =	vld [tilespmem:s23+$0x30];
	[tilespmem:s19+$0x3870 ss:$0x81] =	vst.msk $0xffff, v4;
	v4 =	vpack.i.b32.b16 v13, v10  }
0x58: {  	v10 =	vunpack.i.u.s16.s32 v11;
	v11 =	vunpack.i.l.s16.s32 v11;
	v12 =	vunpack.i.u.s16.s32 v7;
	v13 =	vld [tilespmem:s23+$0xFFFFE040];
	[tilespmem:s19+$0x3871 ss:$0x81] =	vst.msk $0xffff, v4  }
0x59: {  	v4 =	vunpack.i.l.s16.s32 v7;
	v14 =	vunpack.i.u.s16.s32 v9;
	v9 =	vunpack.i.l.s16.s32 v9;
	v15 =	vld [tilespmem:s23+$0x40];
	[tilespmem:s21+$0x3060 ss:$0x81] =	vst.msk $0xffff, v2  }
.Ltmp3:
0x5a: {  	v2 =	vpack.i.b32.b16 v4, v11;
	v11 =	vunpack.i.u.s16.s32 v3;
	v3 =	vunpack.i.l.s16.s32 v3;
	v4 =	vld [tilespmem:s23+$0xFFFFE050];
	[tilespmem:s21+$0x3061 ss:$0x81] =	vst.msk $0xffff, v5;
	s21 =	smov.u32 s19;
	(pc) =	sbr.rel @p1 .LBB1_3-.Ltmp3, $4  }
0x5b: {  	[tilespmem:s19+$0x810 ss:$0x81] =	vst.msk $0xffff, v2;
	v2 =	vpack.i.b32.b16 v12, v10;
	v7 =	vunpack.i.u.s16.s32 v8;
	v12 =	vunpack.i.l.s16.s32 v8;
	v5 =	vld [tilespmem:s23+$0x50]  }
0x5c: {  	v3 =	vpack.i.b32.b16 v3, v9;
	[tilespmem:s19+$0x811 ss:$0x81] =	vst.msk $0xffff, v2;
	v9 =	vunpack.i.u.s16.s32 v6;
	v16 =	vunpack.i.l.s16.s32 v6;
	v2 =	vld [tilespmem:s23+$0xFFFFE060]  }
0x5d: {  	v11 =	vpack.i.b32.b16 v11, v14;
	[tilespmem:s19+$0x1020 ss:$0x81] =	vst.msk $0xffff, v3;
	v8 =	vunpack.i.u.s16.s32 v13;
	v10 =	vunpack.i.l.s16.s32 v13;
	v3 =	vld [tilespmem:s23+$0x60]  }
0x5e: {  	v13 =	vpack.i.b32.b16 v16, v12;
	v6 =	vld [tilespmem:s23+$0xFFFFE000];
	[tilespmem:s19+$0x1021 ss:$0x81] =	vst.msk $0xffff, v11;
	v11 =	vunpack.i.u.s16.s32 v15;
	v12 =	vunpack.i.l.s16.s32 v15;
	s23 =	sadd.s32 $0x80, s23  }
.Ltmp4:
0x5f: {  	_ = 	snop;
	(pc) =	sbr.rel .LBB1_4-.Ltmp4, $1  }
0x60: {  	_ =	sdelay $0x3  }
.LBB1_6:
0x61: {  	_ =	sfence.sel $0x180000  }
0x62: {  	s1 =	simm.s32 $0x1;
	[bflag:$0x0] =	sbarrier.arrive $0xFFFF  }
0x63: {  	s31 =	simm.s32 $0x2;
	[sflag:s1] =	ssyncpa.u1 $0x1  }
0x64: {  	[sflag:s31] =	ssyncpa.u1 $0x1  }
0x65: {  	p0 =	sne.s32 s0, $0x0;
	_ =	strace $0x90000047  }
0x66: {  	s0 =	sadd.s32 @!p0 $0x100000, s3;
	[bflag:$0x2] =	sbarrier.arrive $0xFFFF  }
0x67: {  	[sflag:s0] =	ssyncadd.tile.s32 @!p0 $0x1;
	_ =	shalt  }
.Lfunc_end1:
_tile_overlayer_lowered:
.L_overlay_start_2:
0x68: {  	(tag) =	ssettag $0x2  }
0x69: {  	s0 =	rddreg [dreg:$0x0];
	s2 =	stileid.u32  }
0x6a: {  	s1 =	rddreg [dreg:$0x1];
	p0 =	sne.s32 s2, $0x0  }
0x6b: {  	s3 =	rddreg [dreg:$0x2];
	[bflag:$0x3] =	sbarrier.arrive $0xFFFF;
	s2 =	simm.s32 @!p0 $0x1C01  }
0x6c: {  	[timem:s3], [sflag:s2] =	dma.local @!p0 [hbm:s0], s1  }
0x6d: {  	s0 =	simm.s32 @!p0 $0x1  }
0x6e: {  	_ =	swait.ge @!p0 [sflag:s0], s1  }
0x6f: {  	s1 =	ssub.s32 @!p0 $0x0, s1;
	[sflag:s0] =	ssyncset.done @!p0 $0x0  }
0x70: {  	[sflag:s0] =	ssyncadd.s32 @!p0 s1  }
0x71: {  	[bflag:$0x3] =	sbarrier.arrive $0xFFFF  }
0x72: {  	_ =	shalt  }

</sc_bundles>
